<compile_context>
chip_gen: v7x
topology: tpu7x:2x2x1
jax: 0.10.2.dev20260603
libtpu: 0.0.44.dev20260713+nightly
codegen_flags: <defaults>
</compile_context>

<pallas_src>
import functools

import jax
import jax.numpy as jnp
from jax import lax
from jax.experimental import pallas as pl
from jax.experimental.pallas import tpu as pltpu
from jax.experimental.pallas import tpu_sc as plsc


def _sc_histogram(lab_off, zeros_src, ones_src):
    mesh = plsc.VectorSubcoreMesh(core_axis_name="c", subcore_axis_name="s")

    @functools.partial(
        pl.kernel,
        mesh=mesh,
        out_type=jax.ShapeDtypeStruct((16384,), jnp.float32),
        scratch_types=[
            pltpu.VMEM_SHARED((8192,), jnp.float32),
            pltpu.VMEM((2, 128), jnp.int32),
            pltpu.VMEM((128,), jnp.float32),
            pltpu.VMEM((512,), jnp.float32),
        ],
    )
    def hist(lab_hbm, zero_hbm, one_hbm, cnt_hbm, buf, lab_v, ones_v, z_v):
        c = lax.axis_index("c")
        s = lax.axis_index("s")
        half = s // 8
        k = s % 8
        b = 2 * c + half

        pltpu.sync_copy(zero_hbm, z_v)
        pltpu.sync_copy(one_hbm, ones_v)
        pltpu.sync_copy(lab_hbm.at[pl.ds(b * 16 + k * 2, 2)], lab_v)
        pltpu.sync_copy(z_v, buf.at[pl.ds(s * 512, 512)])
        plsc.subcore_barrier()

        pltpu.sync_copy(ones_v, buf.at[lab_v.at[0]], add=True)
        pltpu.sync_copy(ones_v, buf.at[lab_v.at[1]], add=True)
        plsc.subcore_barrier()

        pltpu.sync_copy(buf.at[pl.ds(s * 512, 512)], z_v)
        pltpu.sync_copy(z_v, cnt_hbm.at[pl.ds(c * 8192 + s * 512, 512)])

    return hist(lab_off, zeros_src, ones_src)


def _body(cnt_ref, x_ref, out_ref, U_ref, G_ref, acc_ref, *, R, NB, B, T, C):
    b = pl.program_id(0)
    i = pl.program_id(1)

    @pl.when(i == 0)
    def _prologue():
        U_ref[...] = jnp.zeros_like(U_ref)
        G_ref[...] = jnp.zeros_like(G_ref)
        acc_ref[0] = 0.0
        acc_ref[1] = 0.0

    x = x_ref[0]
    M = jnp.max(x, axis=1, keepdims=True)
    e = jnp.exp(x)
    Z = jnp.sum(e, axis=1, keepdims=True)
    invZ = 1.0 / Z
    s = jnp.exp(M) * invZ

    cnt = cnt_ref[0]
    Pt = jnp.sum(e * cnt, axis=1, keepdims=True)
    cntoh = jnp.where(x == M, cnt, 0.0)
    cntaj = jnp.sum(cntoh, axis=1, keepdims=True)

    t = (1.0 - s) + s
    v = (t >= 1.0).astype(jnp.float32)
    w = jnp.where((v * cntaj) == 0.0, invZ, 0.0)

    U_ref[...] += jnp.sum(e * w, axis=0, keepdims=True)
    G_ref[...] += jnp.sum(cntoh, axis=0, keepdims=True)
    acc_ref[0] += jnp.sum(Pt * invZ)
    acc_ref[1] += jnp.sum(v * cntaj * s)

    @pl.when(i == NB - 1)
    def _epilogue():
        cnt0 = jnp.where(G_ref[...] == 0.0, cnt, 0.0)
        S_b = (0.1 * acc_ref[0] + 0.9 * acc_ref[1]
               + 0.4 * jnp.sum(cnt0 * U_ref[...]))
        denom = jnp.float32(T + T)
        contrib = -2.0 * S_b / (denom * B)

        @pl.when(b == 0)
        def _():
            acc_ref[2] = 1.0 + contrib

        @pl.when(b > 0)
        def _():
            acc_ref[2] += contrib

        @pl.when(b == B - 1)
        def _():
            out_ref[...] = jnp.full((1, 1, 1), acc_ref[2], dtype=jnp.float32)


@jax.jit
def kernel(logits, labels):
    B, T, C = logits.shape
    R = 512
    NB = T // R

    lab_off = (labels.astype(jnp.int32)
               + (jnp.arange(B, dtype=jnp.int32)[:, None] % 2) * C)
    cnt = _sc_histogram(
        lab_off.reshape(B * T // 128, 128),
        jnp.zeros((512,), jnp.float32),
        jnp.ones((128,), jnp.float32),
    ).reshape(B, 1, C)

    out = pl.pallas_call(
        functools.partial(_body, R=R, NB=NB, B=B, T=T, C=C),
        grid=(B, NB),
        in_specs=[
            pl.BlockSpec((1, 1, C), lambda b, i: (b, 0, 0)),
            pl.BlockSpec((1, R, C), lambda b, i: (b, i, 0)),
        ],
        out_specs=pl.BlockSpec((1, 1, 1), lambda b, i: (0, 0, 0)),
        out_shape=jax.ShapeDtypeStruct((1, 1, 1), jnp.float32),
        scratch_shapes=[
            pltpu.VMEM((1, C), jnp.float32),
            pltpu.VMEM((1, C), jnp.float32),
            pltpu.SMEM((3,), jnp.float32),
        ],
    )(cnt, logits)
    return out.reshape(())

# --- scband reference (transcript-rebuilt; emitter-appended) ---
"""Pipeline reference for scband-rougeloss-49443663511731 (READ-ONLY COPY).

The authoritative reference and input builder live on the scoring server;
editing this copy changes nothing except your own understanding.
"""

import jax, jax.numpy as jnp
import numpy as np


def setup_inputs(seed: int = 0) -> dict:
    key = jax.random.key(seed)
    k1, k2 = jax.random.split(key)
    logits = jax.random.normal(k1, (4, 2048, 4096), dtype=jnp.float32)
    labels = jax.random.randint(k2, (4, 2048), 0, 4096)
    return {"logits": logits, "labels": labels}


def _gather_by_labels(a, lab):
    # torch: F.embedding(lab, a.T)[i, j] == a[j, lab[i]]
    return jnp.take(a, lab, axis=1).T


def reference(logits, labels):
    n = 1
    # discrete_softmax (straight-through argmax one-hot)
    y_soft = jax.nn.softmax(logits, axis=-1)
    index = jnp.argmax(y_soft, axis=-1)
    y_hard = jax.nn.one_hot(index, logits.shape[-1], dtype=logits.dtype)
    d = y_hard - jax.lax.stop_gradient(y_soft) + y_soft
    # overlap[b, 0, i, j] = d[b, j, labels[b, i]]
    overlap = jax.vmap(_gather_by_labels)(d, labels)[:, None]
    # sudoku is undefined in the source module; treated as identity.
    # .long().float().detach()
    overlap = jax.lax.stop_gradient(overlap.astype(jnp.int32).astype(jnp.float32))
    row = jnp.sum(overlap, axis=-1, keepdims=True)
    col = jnp.sum(overlap, axis=-2, keepdims=True)
    idx = (row + col) == 0
    overlap = jnp.where(idx, 0.5, overlap)
    overlap = jnp.clip(overlap, 0.1, 1.0)
    # probs[b, 0, i, j] = softmax(logits)[b, j, labels[b, i]]
    probs = jax.vmap(_gather_by_labels)(y_soft, labels)[:, None]
    numerators = -jnp.sum(overlap * probs, axis=(-2, -1)) * 2
    denominators = overlap.shape[-2] + overlap.shape[-1] - n + 1
    return 1 + jnp.mean(numerators / denominators)

if __name__ == "__main__":
    import jax
    _d = setup_inputs()
    print(jax.jit(kernel)(*tuple(_d.values())))

</pallas_src>

<mosaic_0001>
#map = affine_map<(d0, d1) -> (0, 0)>
#map1 = affine_map<(d0, d1) -> (0)>
module attributes {stable_mosaic.version = 14 : i64} {
  func.func @hist(%arg0: i32, %arg1: i32, %arg2: memref<64x128xi32, #tpu.memory_space<hbm>>, %arg3: memref<512xf32, #tpu.memory_space<hbm>>, %arg4: memref<128xf32, #tpu.memory_space<hbm>>, %arg5: memref<16384xf32, #tpu.memory_space<hbm>>, %arg6: memref<8192xf32, #tpu.memory_space<vmem_shared>>, %arg7: memref<2x128xi32, #tpu.memory_space<vmem>>, %arg8: memref<128xf32, #tpu.memory_space<vmem>>, %arg9: memref<512xf32, #tpu.memory_space<vmem>>) attributes {dimension_semantics = [#tpu.dimension_semantics<core_parallel>, #tpu.dimension_semantics<subcore_parallel>], iteration_bounds = array<i64: 2, 16>, scalar_prefetch = 0 : i64, scratch_operands = 4 : i64, tpu.core_type = #tpu.core_type<sc_vector_subcore>, window_params = [{transform_indices = #map}, {transform_indices = #map1}, {transform_indices = #map1}, {transform_indices = #map1}]} {
    %jit3A = arith.constant 8 : i32
    %div3A = arith.divsi %arg1, %jit3A : i32
    %sign3A = arith.constant 0 : i32
    %sign3A_0 = arith.cmpi sgt, %arg1, %sign3A : i32
    %sign3A_1 = arith.extui %sign3A_0 : i1 to i32
    %sign3A_2 = arith.constant 0 : i32
    %sign3A_3 = arith.cmpi slt, %arg1, %sign3A_2 : i32
    %sign3A_4 = arith.extui %sign3A_3 : i1 to i32
    %sign3A_5 = arith.subi %sign3A_1, %sign3A_4 : i32
    %sign3A_6 = arith.constant 0 : i32
    %sign3A_7 = arith.cmpi sgt, %jit3A, %sign3A_6 : i32
    %sign3A_8 = arith.extui %sign3A_7 : i1 to i32
    %sign3A_9 = arith.constant 0 : i32
    %sign3A_10 = arith.cmpi slt, %jit3A, %sign3A_9 : i32
    %sign3A_11 = arith.extui %sign3A_10 : i1 to i32
    %sign3A_12 = arith.subi %sign3A_8, %sign3A_11 : i32
    %ne3A = arith.cmpi ne, %sign3A_5, %sign3A_12 : i32
    %rem3A = arith.remsi %arg1, %jit3A : i32
    %ne3A_13 = arith.constant 0 : i32
    %ne3A_14 = arith.cmpi ne, %rem3A, %ne3A_13 : i32
    %and3A = arith.andi %ne3A, %ne3A_14 : i1
    %sub3A = arith.constant 1 : i32
    %sub3A_15 = arith.subi %div3A, %sub3A : i32
    %select_n3A = arith.select %and3A, %sub3A_15, %div3A : i32
    %jit3A_16 = arith.constant 8 : i32
    %eq3A = arith.constant 0 : i32
    %eq3A_17 = arith.cmpi eq, %jit3A_16, %eq3A : i32
    %jit3A_18 = arith.constant 1 : i32
    %select_n3A_19 = arith.select %eq3A_17, %jit3A_18, %jit3A_16 : i32
    %rem3A_20 = arith.remsi %arg1, %select_n3A_19 : i32
    %ne3A_21 = arith.constant 0 : i32
    %ne3A_22 = arith.cmpi ne, %rem3A_20, %ne3A_21 : i32
    %lt3A = arith.constant 0 : i32
    %lt3A_23 = arith.cmpi slt, %rem3A_20, %lt3A : i32
    %lt3A_24 = arith.constant 0 : i32
    %lt3A_25 = arith.cmpi slt, %select_n3A_19, %lt3A_24 : i32
    %ne3A_26 = arith.xori %lt3A_23, %lt3A_25 : i1
    %and3A_27 = arith.andi %ne3A_26, %ne3A_22 : i1
    %add3A = arith.addi %rem3A_20, %select_n3A_19 : i32
    %select_n3A_28 = arith.select %and3A_27, %add3A, %rem3A_20 : i32
    %mul3A = arith.constant 2 : i32
    %mul3A_29 = arith.muli %mul3A, %arg0 : i32
    %add3A_30 = arith.addi %mul3A_29, %select_n3A : i32
    "tpu.region"() ({
      %run_scoped3A_47 = tpu.sem_alloc : memref<!tpu.dma_semaphore, #tpu.memory_space<semaphore_mem>>
      tpu.enqueue_dma source(%arg3 : memref<512xf32, #tpu.memory_space<hbm>>) target(%arg9 : memref<512xf32, #tpu.memory_space<vmem>>) target_semaphore(%run_scoped3A_47 : memref<!tpu.dma_semaphore, #tpu.memory_space<semaphore_mem>>)
      tpu.wait_dma2 semaphore(%run_scoped3A_47 : memref<!tpu.dma_semaphore, #tpu.memory_space<semaphore_mem>>) src(%arg3 : memref<512xf32, #tpu.memory_space<hbm>>) dst(%arg9 : memref<512xf32, #tpu.memory_space<vmem>>)
      tpu.yield
    }) : () -> ()
    "tpu.region"() ({
      %run_scoped3A_47 = tpu.sem_alloc : memref<!tpu.dma_semaphore, #tpu.memory_space<semaphore_mem>>
      tpu.enqueue_dma source(%arg4 : memref<128xf32, #tpu.memory_space<hbm>>) target(%arg8 : memref<128xf32, #tpu.memory_space<vmem>>) target_semaphore(%run_scoped3A_47 : memref<!tpu.dma_semaphore, #tpu.memory_space<semaphore_mem>>)
      tpu.wait_dma2 semaphore(%run_scoped3A_47 : memref<!tpu.dma_semaphore, #tpu.memory_space<semaphore_mem>>) src(%arg4 : memref<128xf32, #tpu.memory_space<hbm>>) dst(%arg8 : memref<128xf32, #tpu.memory_space<vmem>>)
      tpu.yield
    }) : () -> ()
    %mul3A_31 = arith.constant 16 : i32
    %mul3A_32 = arith.muli %add3A_30, %mul3A_31 : i32
    %mul3A_33 = arith.constant 2 : i32
    %mul3A_34 = arith.muli %select_n3A_28, %mul3A_33 : i32
    %add3A_35 = arith.addi %mul3A_32, %mul3A_34 : i32
    "tpu.region"() ({
      %run_scoped3A_47 = tpu.sem_alloc : memref<!tpu.dma_semaphore, #tpu.memory_space<semaphore_mem>>
      %dma_start3A = arith.constant 0 : i32
      %dma_start3A_48 = tpu.memref_slice %arg2[%add3A_35, %dma_start3A] : memref<64x128xi32, #tpu.memory_space<hbm>> -> memref<2x128xi32, #tpu.memory_space<hbm>>
      %dma_start3A_49 = arith.constant 0 : i32
      %dma_start3A_50 = tpu.memref_slice %arg2[%add3A_35, %dma_start3A_49] : memref<64x128xi32, #tpu.memory_space<hbm>> -> memref<2x128xi32, #tpu.memory_space<hbm>>
      tpu.enqueue_dma source(%dma_start3A_50 : memref<2x128xi32, #tpu.memory_space<hbm>>) target(%arg7 : memref<2x128xi32, #tpu.memory_space<vmem>>) target_semaphore(%run_scoped3A_47 : memref<!tpu.dma_semaphore, #tpu.memory_space<semaphore_mem>>)
      %dma_wait3A = arith.constant 0 : i32
      %dma_wait3A_51 = tpu.memref_slice %arg2[%add3A_35, %dma_wait3A] : memref<64x128xi32, #tpu.memory_space<hbm>> -> memref<2x128xi32, #tpu.memory_space<hbm>>
      %dma_wait3A_52 = arith.constant 0 : i32
      %dma_wait3A_53 = tpu.memref_slice %arg2[%add3A_35, %dma_wait3A_52] : memref<64x128xi32, #tpu.memory_space<hbm>> -> memref<2x128xi32, #tpu.memory_space<hbm>>
      tpu.wait_dma2 semaphore(%run_scoped3A_47 : memref<!tpu.dma_semaphore, #tpu.memory_space<semaphore_mem>>) src(%dma_wait3A_53 : memref<2x128xi32, #tpu.memory_space<hbm>>) dst(%arg7 : memref<2x128xi32, #tpu.memory_space<vmem>>)
      tpu.yield
    }) : () -> ()
    %mul3A_36 = arith.constant 512 : i32
    %mul3A_37 = arith.muli %arg1, %mul3A_36 : i32
    "tpu.region"() ({
      %run_scoped3A_47 = tpu.sem_alloc : memref<!tpu.dma_semaphore, #tpu.memory_space<semaphore_mem>>
      %dma_start3A = tpu.memref_slice %arg6[%mul3A_37] : memref<8192xf32, #tpu.memory_space<vmem_shared>> -> memref<512xf32, #tpu.memory_space<vmem_shared>>
      %dma_start3A_48 = tpu.memref_slice %arg6[%mul3A_37] : memref<8192xf32, #tpu.memory_space<vmem_shared>> -> memref<512xf32, #tpu.memory_space<vmem_shared>>
      tpu.enqueue_dma source(%arg9 : memref<512xf32, #tpu.memory_space<vmem>>) target(%dma_start3A_48 : memref<512xf32, #tpu.memory_space<vmem_shared>>) target_semaphore(%run_scoped3A_47 : memref<!tpu.dma_semaphore, #tpu.memory_space<semaphore_mem>>)
      %dma_wait3A = tpu.memref_slice %arg6[%mul3A_37] : memref<8192xf32, #tpu.memory_space<vmem_shared>> -> memref<512xf32, #tpu.memory_space<vmem_shared>>
      %dma_wait3A_49 = tpu.memref_slice %arg6[%mul3A_37] : memref<8192xf32, #tpu.memory_space<vmem_shared>> -> memref<512xf32, #tpu.memory_space<vmem_shared>>
      tpu.wait_dma2 semaphore(%run_scoped3A_47 : memref<!tpu.dma_semaphore, #tpu.memory_space<semaphore_mem>>) src(%arg9 : memref<512xf32, #tpu.memory_space<vmem>>) dst(%dma_wait3A_49 : memref<512xf32, #tpu.memory_space<vmem_shared>>)
      tpu.yield
    }) : () -> ()
    %barrier3A = arith.constant 0 : index
    tpu.barrier barrier_id(%barrier3A)
    %run_scoped3A = arith.constant 0 : i32
    "tpu.region"() ({
      %run_scoped3A_47 = tpu.sem_alloc : memref<!tpu.dma_semaphore, #tpu.memory_space<semaphore_mem>>
      %dma_start3A = arith.constant 0 : i32
      %dma_start3A_48 = tpu.memref_slice %arg7[%run_scoped3A, %dma_start3A] : memref<2x128xi32, #tpu.memory_space<vmem>> -> memref<1x128xi32, #tpu.memory_space<vmem>>
      %dma_start3A_49 = tpu.memref_squeeze %dma_start3A_48 : memref<1x128xi32, #tpu.memory_space<vmem>> -> memref<128xi32, #tpu.memory_space<vmem>>
      %dma_start3A_50 = arith.constant 0 : i32
      %dma_start3A_51 = tpu.memref_slice %arg6[%dma_start3A_50] : memref<8192xf32, #tpu.memory_space<vmem_shared>> -> memref<8192xf32, #tpu.memory_space<vmem_shared>>
      tpu.enqueue_indirect_dma source(%arg8 : memref<128xf32, #tpu.memory_space<vmem>>) target(%dma_start3A_51 : memref<8192xf32, #tpu.memory_space<vmem_shared>>) offsets(%dma_start3A_49 : memref<128xi32, #tpu.memory_space<vmem>>) semaphore(%run_scoped3A_47 : memref<!tpu.dma_semaphore, #tpu.memory_space<semaphore_mem>>) {add = true}
      %dma_wait3A = arith.constant 0 : i32
      %dma_wait3A_52 = tpu.memref_slice %arg7[%run_scoped3A, %dma_wait3A] : memref<2x128xi32, #tpu.memory_space<vmem>> -> memref<1x128xi32, #tpu.memory_space<vmem>>
      %dma_wait3A_53 = tpu.memref_squeeze %dma_wait3A_52 : memref<1x128xi32, #tpu.memory_space<vmem>> -> memref<128xi32, #tpu.memory_space<vmem>>
      %dma_wait3A_54 = arith.constant 0 : i32
      %dma_wait3A_55 = tpu.memref_slice %arg6[%dma_wait3A_54] : memref<8192xf32, #tpu.memory_space<vmem_shared>> -> memref<8192xf32, #tpu.memory_space<vmem_shared>>
      tpu.wait_indirect_dma semaphore(%run_scoped3A_47 : memref<!tpu.dma_semaphore, #tpu.memory_space<semaphore_mem>>) src(%arg8 : memref<128xf32, #tpu.memory_space<vmem>>) dst(%dma_wait3A_55 : memref<8192xf32, #tpu.memory_space<vmem_shared>>)
      tpu.yield
    }) : () -> ()
    %run_scoped3A_38 = arith.constant 1 : i32
    "tpu.region"() ({
      %run_scoped3A_47 = tpu.sem_alloc : memref<!tpu.dma_semaphore, #tpu.memory_space<semaphore_mem>>
      %dma_start3A = arith.constant 0 : i32
      %dma_start3A_48 = tpu.memref_slice %arg7[%run_scoped3A_38, %dma_start3A] : memref<2x128xi32, #tpu.memory_space<vmem>> -> memref<1x128xi32, #tpu.memory_space<vmem>>
      %dma_start3A_49 = tpu.memref_squeeze %dma_start3A_48 : memref<1x128xi32, #tpu.memory_space<vmem>> -> memref<128xi32, #tpu.memory_space<vmem>>
      %dma_start3A_50 = arith.constant 0 : i32
      %dma_start3A_51 = tpu.memref_slice %arg6[%dma_start3A_50] : memref<8192xf32, #tpu.memory_space<vmem_shared>> -> memref<8192xf32, #tpu.memory_space<vmem_shared>>
      tpu.enqueue_indirect_dma source(%arg8 : memref<128xf32, #tpu.memory_space<vmem>>) target(%dma_start3A_51 : memref<8192xf32, #tpu.memory_space<vmem_shared>>) offsets(%dma_start3A_49 : memref<128xi32, #tpu.memory_space<vmem>>) semaphore(%run_scoped3A_47 : memref<!tpu.dma_semaphore, #tpu.memory_space<semaphore_mem>>) {add = true}
      %dma_wait3A = arith.constant 0 : i32
      %dma_wait3A_52 = tpu.memref_slice %arg7[%run_scoped3A_38, %dma_wait3A] : memref<2x128xi32, #tpu.memory_space<vmem>> -> memref<1x128xi32, #tpu.memory_space<vmem>>
      %dma_wait3A_53 = tpu.memref_squeeze %dma_wait3A_52 : memref<1x128xi32, #tpu.memory_space<vmem>> -> memref<128xi32, #tpu.memory_space<vmem>>
      %dma_wait3A_54 = arith.constant 0 : i32
      %dma_wait3A_55 = tpu.memref_slice %arg6[%dma_wait3A_54] : memref<8192xf32, #tpu.memory_space<vmem_shared>> -> memref<8192xf32, #tpu.memory_space<vmem_shared>>
      tpu.wait_indirect_dma semaphore(%run_scoped3A_47 : memref<!tpu.dma_semaphore, #tpu.memory_space<semaphore_mem>>) src(%arg8 : memref<128xf32, #tpu.memory_space<vmem>>) dst(%dma_wait3A_55 : memref<8192xf32, #tpu.memory_space<vmem_shared>>)
      tpu.yield
    }) : () -> ()
    %barrier3A_39 = arith.constant 0 : index
    tpu.barrier barrier_id(%barrier3A_39)
    %mul3A_40 = arith.constant 512 : i32
    %mul3A_41 = arith.muli %arg1, %mul3A_40 : i32
    "tpu.region"() ({
      %run_scoped3A_47 = tpu.sem_alloc : memref<!tpu.dma_semaphore, #tpu.memory_space<semaphore_mem>>
      %dma_start3A = tpu.memref_slice %arg6[%mul3A_41] : memref<8192xf32, #tpu.memory_space<vmem_shared>> -> memref<512xf32, #tpu.memory_space<vmem_shared>>
      %dma_start3A_48 = tpu.memref_slice %arg6[%mul3A_41] : memref<8192xf32, #tpu.memory_space<vmem_shared>> -> memref<512xf32, #tpu.memory_space<vmem_shared>>
      tpu.enqueue_dma source(%dma_start3A_48 : memref<512xf32, #tpu.memory_space<vmem_shared>>) target(%arg9 : memref<512xf32, #tpu.memory_space<vmem>>) target_semaphore(%run_scoped3A_47 : memref<!tpu.dma_semaphore, #tpu.memory_space<semaphore_mem>>)
      %dma_wait3A = tpu.memref_slice %arg6[%mul3A_41] : memref<8192xf32, #tpu.memory_space<vmem_shared>> -> memref<512xf32, #tpu.memory_space<vmem_shared>>
      %dma_wait3A_49 = tpu.memref_slice %arg6[%mul3A_41] : memref<8192xf32, #tpu.memory_space<vmem_shared>> -> memref<512xf32, #tpu.memory_space<vmem_shared>>
      tpu.wait_dma2 semaphore(%run_scoped3A_47 : memref<!tpu.dma_semaphore, #tpu.memory_space<semaphore_mem>>) src(%dma_wait3A_49 : memref<512xf32, #tpu.memory_space<vmem_shared>>) dst(%arg9 : memref<512xf32, #tpu.memory_space<vmem>>)
      tpu.yield
    }) : () -> ()
    %mul3A_42 = arith.constant 8192 : i32
    %mul3A_43 = arith.muli %arg0, %mul3A_42 : i32
    %mul3A_44 = arith.constant 512 : i32
    %mul3A_45 = arith.muli %arg1, %mul3A_44 : i32
    %add3A_46 = arith.addi %mul3A_43, %mul3A_45 : i32
    "tpu.region"() ({
      %run_scoped3A_47 = tpu.sem_alloc : memref<!tpu.dma_semaphore, #tpu.memory_space<semaphore_mem>>
      %dma_start3A = tpu.memref_slice %arg5[%add3A_46] : memref<16384xf32, #tpu.memory_space<hbm>> -> memref<512xf32, #tpu.memory_space<hbm>>
      %dma_start3A_48 = tpu.memref_slice %arg5[%add3A_46] : memref<16384xf32, #tpu.memory_space<hbm>> -> memref<512xf32, #tpu.memory_space<hbm>>
      tpu.enqueue_dma source(%arg9 : memref<512xf32, #tpu.memory_space<vmem>>) target(%dma_start3A_48 : memref<512xf32, #tpu.memory_space<hbm>>) target_semaphore(%run_scoped3A_47 : memref<!tpu.dma_semaphore, #tpu.memory_space<semaphore_mem>>)
      %dma_wait3A = tpu.memref_slice %arg5[%add3A_46] : memref<16384xf32, #tpu.memory_space<hbm>> -> memref<512xf32, #tpu.memory_space<hbm>>
      %dma_wait3A_49 = tpu.memref_slice %arg5[%add3A_46] : memref<16384xf32, #tpu.memory_space<hbm>> -> memref<512xf32, #tpu.memory_space<hbm>>
      tpu.wait_dma2 semaphore(%run_scoped3A_47 : memref<!tpu.dma_semaphore, #tpu.memory_space<semaphore_mem>>) src(%arg9 : memref<512xf32, #tpu.memory_space<vmem>>) dst(%dma_wait3A_49 : memref<512xf32, #tpu.memory_space<hbm>>)
      tpu.yield
    }) : () -> ()
    return
  }
}

module attributes {stable_mosaic.version = 14 : i64} {
  func.func @_body(%arg0: i32, %arg1: i32, %arg2: memref<1x1x4096xf32, #tpu.memory_space<vmem>>, %arg3: memref<1x512x4096xf32, #tpu.memory_space<vmem>>, %arg4: memref<1x1x1xf32, #tpu.memory_space<vmem>>, %arg5: memref<1x4096xf32, #tpu.memory_space<vmem>>, %arg6: memref<1x4096xf32, #tpu.memory_space<vmem>>, %arg7: memref<3xf32, #tpu.memory_space<smem>>) attributes {dimension_semantics = [#tpu.dimension_semantics<arbitrary>, #tpu.dimension_semantics<arbitrary>], iteration_bounds = array<i64: 4, 4>, scalar_prefetch = 0 : i64, scratch_operands = 3 : i64, tpu.core_type = #tpu.core_type<tc>, window_params = [{transform_indices = @transform_0, window_bounds = array<i64: 1, 1, 4096>}, {transform_indices = @transform_1, window_bounds = array<i64: 1, 512, 4096>}, {pipeline_mode = #tpu.pipeline_mode<synchronous>, transform_indices = @transform_2, window_bounds = array<i64: 1, 1, 1>}]} {
    %eq3A = arith.constant 0 : i32
    %eq3A_0 = arith.cmpi eq, %arg1, %eq3A : i32
    %convert_element_type3A = arith.extui %eq3A_0 : i1 to i32
    %cond3A = arith.constant 0 : i32
    %cond3A_1 = arith.cmpi ne, %convert_element_type3A, %cond3A : i32
    scf.if %cond3A_1 {
      %broadcast_in_dim3A_92 = arith.constant 0.000000e+00 : f32
      %broadcast_in_dim3A_93 = vector.broadcast %broadcast_in_dim3A_92 : f32 to vector<1x4096xf32>
      %swap3A_94 = arith.constant 0 : index
      %swap3A_95 = arith.constant 0 : index
      %swap3A_96 = vector.load %arg5[%swap3A_94, %swap3A_95] : memref<1x4096xf32, #tpu.memory_space<vmem>>, vector<1x4096xf32>
      tpu.vector_store %arg5[%swap3A_94, %swap3A_95], %broadcast_in_dim3A_93 {strides = array<i32>} : memref<1x4096xf32, #tpu.memory_space<vmem>>, vector<1x4096xf32>,
      %broadcast_in_dim3A_97 = arith.constant 0.000000e+00 : f32
      %broadcast_in_dim3A_98 = vector.broadcast %broadcast_in_dim3A_97 : f32 to vector<1x4096xf32>
      %swap3A_99 = arith.constant 0 : index
      %swap3A_100 = arith.constant 0 : index
      %swap3A_101 = vector.load %arg6[%swap3A_99, %swap3A_100] : memref<1x4096xf32, #tpu.memory_space<vmem>>, vector<1x4096xf32>
      tpu.vector_store %arg6[%swap3A_99, %swap3A_100], %broadcast_in_dim3A_98 {strides = array<i32>} : memref<1x4096xf32, #tpu.memory_space<vmem>>, vector<1x4096xf32>,
      %swap3A_102 = arith.constant 0.000000e+00 : f32
      %swap3A_103 = arith.constant 0 : index
      %swap3A_104 = memref.load %arg7[%swap3A_103] : memref<3xf32, #tpu.memory_space<smem>>
      memref.store %swap3A_102, %arg7[%swap3A_103] : memref<3xf32, #tpu.memory_space<smem>>
      %swap3A_105 = arith.constant 0.000000e+00 : f32
      %swap3A_106 = arith.constant 1 : index
      %swap3A_107 = memref.load %arg7[%swap3A_106] : memref<3xf32, #tpu.memory_space<smem>>
      memref.store %swap3A_105, %arg7[%swap3A_106] : memref<3xf32, #tpu.memory_space<smem>>
    } else {
    }
    %get3A = arith.constant 0 : index
    %get3A_2 = arith.constant 0 : index
    %get3A_3 = arith.constant 0 : index
    %get3A_4 = vector.load %arg3[%get3A, %get3A_2, %get3A_3] : memref<1x512x4096xf32, #tpu.memory_space<vmem>>, vector<1x512x4096xf32>
    %get3A_5 = vector.shape_cast %get3A_4 : vector<1x512x4096xf32> to vector<512x4096xf32>
    %reduce_max3A = arith.constant dense<0xFF800000> : vector<512xf32>
    %reduce_max3A_6 = vector.multi_reduction <maximumf>, %get3A_5, %reduce_max3A [1] : vector<512x4096xf32> to vector<512xf32>
    %broadcast_in_dim3A = vector.shape_cast %reduce_max3A_6 : vector<512xf32> to vector<512x1xf32>
    %exp3A = math.exp %get3A_5 : vector<512x4096xf32>
    %reduce_sum3A = arith.constant dense<0.000000e+00> : vector<512xf32>
    %reduce_sum3A_7 = vector.multi_reduction <add>, %exp3A, %reduce_sum3A [1] : vector<512x4096xf32> to vector<512xf32>
    %broadcast_in_dim3A_8 = vector.shape_cast %reduce_sum3A_7 : vector<512xf32> to vector<512x1xf32>
    %div3A = arith.constant 1.000000e+00 : f32
    %div3A_9 = vector.broadcast %div3A : f32 to vector<512x1xf32>
    %div3A_10 = arith.divf %div3A_9, %broadcast_in_dim3A_8 : vector<512x1xf32>
    %exp3A_11 = math.exp %broadcast_in_dim3A : vector<512x1xf32>
    %mul3A = arith.mulf %exp3A_11, %div3A_10 : vector<512x1xf32>
    %get3A_12 = arith.constant 0 : index
    %get3A_13 = arith.constant 0 : index
    %get3A_14 = arith.constant 0 : index
    %get3A_15 = vector.load %arg2[%get3A_12, %get3A_13, %get3A_14] : memref<1x1x4096xf32, #tpu.memory_space<vmem>>, vector<1x1x4096xf32>
    %get3A_16 = vector.shape_cast %get3A_15 : vector<1x1x4096xf32> to vector<1x4096xf32>
    %mul3A_17 = vector.broadcast %get3A_16 : vector<1x4096xf32> to vector<512x4096xf32>
    %mul3A_18 = arith.mulf %exp3A, %mul3A_17 : vector<512x4096xf32>
    %reduce_sum3A_19 = arith.constant dense<0.000000e+00> : vector<512xf32>
    %reduce_sum3A_20 = vector.multi_reduction <add>, %mul3A_18, %reduce_sum3A_19 [1] : vector<512x4096xf32> to vector<512xf32>
    %broadcast_in_dim3A_21 = vector.shape_cast %reduce_sum3A_20 : vector<512xf32> to vector<512x1xf32>
    %eq3A_22 = vector.broadcast %broadcast_in_dim3A : vector<512x1xf32> to vector<512x4096xf32>
    %eq3A_23 = arith.cmpf oeq, %get3A_5, %eq3A_22 : vector<512x4096xf32>
    %jit3A = arith.constant 0.000000e+00 : f32
    %broadcast_in_dim3A_24 = vector.shape_cast %get3A_16 : vector<1x4096xf32> to vector<1x4096xf32>
    %broadcast_in_dim3A_25 = vector.broadcast %broadcast_in_dim3A_24 : vector<1x4096xf32> to vector<512x4096xf32>
    %broadcast_in_dim3A_26 = vector.broadcast %jit3A : f32 to vector<512x4096xf32>
    %select_n3A = arith.select %eq3A_23, %broadcast_in_dim3A_25, %broadcast_in_dim3A_26 : vector<512x4096xi1>, vector<512x4096xf32>
    %reduce_sum3A_27 = arith.constant dense<0.000000e+00> : vector<512xf32>
    %reduce_sum3A_28 = vector.multi_reduction <add>, %select_n3A, %reduce_sum3A_27 [1] : vector<512x4096xf32> to vector<512xf32>
    %broadcast_in_dim3A_29 = vector.shape_cast %reduce_sum3A_28 : vector<512xf32> to vector<512x1xf32>
    %sub3A = arith.constant 1.000000e+00 : f32
    %sub3A_30 = vector.broadcast %sub3A : f32 to vector<512x1xf32>
    %sub3A_31 = arith.subf %sub3A_30, %mul3A : vector<512x1xf32>
    %add3A = arith.addf %sub3A_31, %mul3A : vector<512x1xf32>
    %ge3A = arith.constant 1.000000e+00 : f32
    %ge3A_32 = vector.broadcast %ge3A : f32 to vector<512x1xf32>
    %ge3A_33 = arith.cmpf oge, %add3A, %ge3A_32 : vector<512x1xf32>
    %convert_element_type3A_34 = arith.extui %ge3A_33 : vector<512x1xi1> to vector<512x1xi32>
    %convert_element_type3A_35 = arith.sitofp %convert_element_type3A_34 : vector<512x1xi32> to vector<512x1xf32>
    %mul3A_36 = arith.mulf %convert_element_type3A_35, %broadcast_in_dim3A_29 : vector<512x1xf32>
    %eq3A_37 = arith.constant 0.000000e+00 : f32
    %eq3A_38 = vector.broadcast %eq3A_37 : f32 to vector<512x1xf32>
    %eq3A_39 = arith.cmpf oeq, %mul3A_36, %eq3A_38 : vector<512x1xf32>
    %jit3A_40 = arith.constant 0.000000e+00 : f32
    %broadcast_in_dim3A_41 = vector.broadcast %jit3A_40 : f32 to vector<512x1xf32>
    %select_n3A_42 = arith.select %eq3A_39, %div3A_10, %broadcast_in_dim3A_41 : vector<512x1xi1>, vector<512x1xf32>
    %get3A_43 = arith.constant 0 : index
    %get3A_44 = arith.constant 0 : index
    %get3A_45 = vector.load %arg5[%get3A_43, %get3A_44] : memref<1x4096xf32, #tpu.memory_space<vmem>>, vector<1x4096xf32>
    %mul3A_46 = vector.broadcast %select_n3A_42 : vector<512x1xf32> to vector<512x4096xf32>
    %mul3A_47 = arith.mulf %exp3A, %mul3A_46 : vector<512x4096xf32>
    %reduce_sum3A_48 = arith.constant dense<0.000000e+00> : vector<4096xf32>
    %reduce_sum3A_49 = vector.multi_reduction <add>, %mul3A_47, %reduce_sum3A_48 [0] : vector<512x4096xf32> to vector<4096xf32>
    %broadcast_in_dim3A_50 = vector.shape_cast %reduce_sum3A_49 : vector<4096xf32> to vector<1x4096xf32>
    %add3A_51 = arith.addf %get3A_45, %broadcast_in_dim3A_50 : vector<1x4096xf32>
    %swap3A = arith.constant 0 : index
    %swap3A_52 = arith.constant 0 : index
    %swap3A_53 = vector.load %arg5[%swap3A, %swap3A_52] : memref<1x4096xf32, #tpu.memory_space<vmem>>, vector<1x4096xf32>
    tpu.vector_store %arg5[%swap3A, %swap3A_52], %add3A_51 {strides = array<i32>} : memref<1x4096xf32, #tpu.memory_space<vmem>>, vector<1x4096xf32>,
    %get3A_54 = arith.constant 0 : index
    %get3A_55 = arith.constant 0 : index
    %get3A_56 = vector.load %arg6[%get3A_54, %get3A_55] : memref<1x4096xf32, #tpu.memory_space<vmem>>, vector<1x4096xf32>
    %reduce_sum3A_57 = arith.constant dense<0.000000e+00> : vector<4096xf32>
    %reduce_sum3A_58 = vector.multi_reduction <add>, %select_n3A, %reduce_sum3A_57 [0] : vector<512x4096xf32> to vector<4096xf32>
    %broadcast_in_dim3A_59 = vector.shape_cast %reduce_sum3A_58 : vector<4096xf32> to vector<1x4096xf32>
    %add3A_60 = arith.addf %get3A_56, %broadcast_in_dim3A_59 : vector<1x4096xf32>
    %swap3A_61 = arith.constant 0 : index
    %swap3A_62 = arith.constant 0 : index
    %swap3A_63 = vector.load %arg6[%swap3A_61, %swap3A_62] : memref<1x4096xf32, #tpu.memory_space<vmem>>, vector<1x4096xf32>
    tpu.vector_store %arg6[%swap3A_61, %swap3A_62], %add3A_60 {strides = array<i32>} : memref<1x4096xf32, #tpu.memory_space<vmem>>, vector<1x4096xf32>,
    %get3A_64 = arith.constant 0 : index
    %get3A_65 = memref.load %arg7[%get3A_64] : memref<3xf32, #tpu.memory_space<smem>>
    %mul3A_66 = arith.mulf %broadcast_in_dim3A_21, %div3A_10 : vector<512x1xf32>
    %reduce_sum3A_67 = vector.shape_cast %mul3A_66 : vector<512x1xf32> to vector<1x512x1xf32>
    %reduce_sum3A_68 = arith.constant dense<0.000000e+00> : vector<1xf32>
    %reduce_sum3A_69 = vector.multi_reduction <add>, %reduce_sum3A_67, %reduce_sum3A_68 [1, 2] : vector<1x512x1xf32> to vector<1xf32>
    %reduce_sum3A_70 = vector.shape_cast %reduce_sum3A_69 : vector<1xf32> to vector<1x1x1xf32>
    %reduce_sum3A_71 = vector.extract %reduce_sum3A_70[0, 0, 0] : f32 from vector<1x1x1xf32>
    %add3A_72 = arith.addf %get3A_65, %reduce_sum3A_71 : f32
    %swap3A_73 = arith.constant 0 : index
    %swap3A_74 = memref.load %arg7[%swap3A_73] : memref<3xf32, #tpu.memory_space<smem>>
    memref.store %add3A_72, %arg7[%swap3A_73] : memref<3xf32, #tpu.memory_space<smem>>
    %get3A_75 = arith.constant 1 : index
    %get3A_76 = memref.load %arg7[%get3A_75] : memref<3xf32, #tpu.memory_space<smem>>
    %mul3A_77 = arith.mulf %convert_element_type3A_35, %broadcast_in_dim3A_29 : vector<512x1xf32>
    %mul3A_78 = arith.mulf %mul3A_77, %mul3A : vector<512x1xf32>
    %reduce_sum3A_79 = vector.shape_cast %mul3A_78 : vector<512x1xf32> to vector<1x512x1xf32>
    %reduce_sum3A_80 = arith.constant dense<0.000000e+00> : vector<1xf32>
    %reduce_sum3A_81 = vector.multi_reduction <add>, %reduce_sum3A_79, %reduce_sum3A_80 [1, 2] : vector<1x512x1xf32> to vector<1xf32>
    %reduce_sum3A_82 = vector.shape_cast %reduce_sum3A_81 : vector<1xf32> to vector<1x1x1xf32>
    %reduce_sum3A_83 = vector.extract %reduce_sum3A_82[0, 0, 0] : f32 from vector<1x1x1xf32>
    %add3A_84 = arith.addf %get3A_76, %reduce_sum3A_83 : f32
    %swap3A_85 = arith.constant 1 : index
    %swap3A_86 = memref.load %arg7[%swap3A_85] : memref<3xf32, #tpu.memory_space<smem>>
    memref.store %add3A_84, %arg7[%swap3A_85] : memref<3xf32, #tpu.memory_space<smem>>
    %eq3A_87 = arith.constant 3 : i32
    %eq3A_88 = arith.cmpi eq, %arg1, %eq3A_87 : i32
    %convert_element_type3A_89 = arith.extui %eq3A_88 : i1 to i32
    %cond3A_90 = arith.constant 0 : i32
    %cond3A_91 = arith.cmpi ne, %convert_element_type3A_89, %cond3A_90 : i32
    scf.if %cond3A_91 {
      %get3A_92 = arith.constant 0 : index
      %get3A_93 = arith.constant 0 : index
      %get3A_94 = vector.load %arg6[%get3A_92, %get3A_93] : memref<1x4096xf32, #tpu.memory_space<vmem>>, vector<1x4096xf32>
      %eq3A_95 = arith.constant 0.000000e+00 : f32
      %eq3A_96 = vector.broadcast %eq3A_95 : f32 to vector<1x4096xf32>
      %eq3A_97 = arith.cmpf oeq, %get3A_94, %eq3A_96 : vector<1x4096xf32>
      %jit3A_98 = arith.constant 0.000000e+00 : f32
      %broadcast_in_dim3A_99 = vector.broadcast %jit3A_98 : f32 to vector<1x4096xf32>
      %select_n3A_100 = arith.select %eq3A_97, %get3A_16, %broadcast_in_dim3A_99 : vector<1x4096xi1>, vector<1x4096xf32>
      %get3A_101 = arith.constant 0 : index
      %get3A_102 = memref.load %arg7[%get3A_101] : memref<3xf32, #tpu.memory_space<smem>>
      %mul3A_103 = arith.constant 1.000000e-01 : f32
      %mul3A_104 = arith.mulf %mul3A_103, %get3A_102 : f32
      %get3A_105 = arith.constant 1 : index
      %get3A_106 = memref.load %arg7[%get3A_105] : memref<3xf32, #tpu.memory_space<smem>>
      %mul3A_107 = arith.constant 0.899999976 : f32
      %mul3A_108 = arith.mulf %mul3A_107, %get3A_106 : f32
      %add3A_109 = arith.addf %mul3A_104, %mul3A_108 : f32
      %get3A_110 = arith.constant 0 : index
      %get3A_111 = arith.constant 0 : index
      %get3A_112 = vector.load %arg5[%get3A_110, %get3A_111] : memref<1x4096xf32, #tpu.memory_space<vmem>>, vector<1x4096xf32>
      %mul3A_113 = arith.mulf %select_n3A_100, %get3A_112 : vector<1x4096xf32>
      %reduce_sum3A_114 = vector.shape_cast %mul3A_113 : vector<1x4096xf32> to vector<1x1x4096xf32>
      %reduce_sum3A_115 = arith.constant dense<0.000000e+00> : vector<1xf32>
      %reduce_sum3A_116 = vector.multi_reduction <add>, %reduce_sum3A_114, %reduce_sum3A_115 [1, 2] : vector<1x1x4096xf32> to vector<1xf32>
      %reduce_sum3A_117 = vector.shape_cast %reduce_sum3A_116 : vector<1xf32> to vector<1x1x1xf32>
      %reduce_sum3A_118 = vector.extract %reduce_sum3A_117[0, 0, 0] : f32 from vector<1x1x1xf32>
      %mul3A_119 = arith.constant 4.000000e-01 : f32
      %mul3A_120 = arith.mulf %mul3A_119, %reduce_sum3A_118 : f32
      %add3A_121 = arith.addf %add3A_109, %mul3A_120 : f32
      %mul3A_122 = arith.constant -2.000000e+00 : f32
      %mul3A_123 = arith.mulf %mul3A_122, %add3A_121 : f32
      %mul3A_124 = arith.constant 4.096000e+03 : f32
      %mul3A_125 = arith.constant 4.000000e+00 : f32
      %mul3A_126 = arith.mulf %mul3A_124, %mul3A_125 : f32
      %div3A_127 = arith.divf %mul3A_123, %mul3A_126 : f32
      %eq3A_128 = arith.constant 0 : i32
      %eq3A_129 = arith.cmpi eq, %arg0, %eq3A_128 : i32
      %convert_element_type3A_130 = arith.extui %eq3A_129 : i1 to i32
      %cond3A_131 = arith.constant 0 : i32
      %cond3A_132 = arith.cmpi ne, %convert_element_type3A_130, %cond3A_131 : i32
      scf.if %cond3A_132 {
        %add3A_142 = arith.constant 1.000000e+00 : f32
        %add3A_143 = arith.addf %add3A_142, %div3A_127 : f32
        %swap3A_144 = arith.constant 2 : index
        %swap3A_145 = memref.load %arg7[%swap3A_144] : memref<3xf32, #tpu.memory_space<smem>>
        memref.store %add3A_143, %arg7[%swap3A_144] : memref<3xf32, #tpu.memory_space<smem>>
      } else {
      }
      %gt3A = arith.constant 0 : i32
      %gt3A_133 = arith.cmpi sgt, %arg0, %gt3A : i32
      %convert_element_type3A_134 = arith.extui %gt3A_133 : i1 to i32
      %cond3A_135 = arith.constant 0 : i32
      %cond3A_136 = arith.cmpi ne, %convert_element_type3A_134, %cond3A_135 : i32
      scf.if %cond3A_136 {
        %get3A_142 = arith.constant 2 : index
        %get3A_143 = memref.load %arg7[%get3A_142] : memref<3xf32, #tpu.memory_space<smem>>
        %add3A_144 = arith.addf %get3A_143, %div3A_127 : f32
        %swap3A_145 = arith.constant 2 : index
        %swap3A_146 = memref.load %arg7[%swap3A_145] : memref<3xf32, #tpu.memory_space<smem>>
        memref.store %add3A_144, %arg7[%swap3A_145] : memref<3xf32, #tpu.memory_space<smem>>
      } else {
      }
      %eq3A_137 = arith.constant 3 : i32
      %eq3A_138 = arith.cmpi eq, %arg0, %eq3A_137 : i32
      %convert_element_type3A_139 = arith.extui %eq3A_138 : i1 to i32
      %cond3A_140 = arith.constant 0 : i32
      %cond3A_141 = arith.cmpi ne, %convert_element_type3A_139, %cond3A_140 : i32
      scf.if %cond3A_141 {
        %get3A_142 = arith.constant 2 : index
        %get3A_143 = memref.load %arg7[%get3A_142] : memref<3xf32, #tpu.memory_space<smem>>
        %broadcast_in_dim3A_144 = vector.broadcast %get3A_143 : f32 to vector<1x1x1xf32>
        %swap3A_145 = arith.constant 0 : index
        %swap3A_146 = arith.constant 0 : index
        %swap3A_147 = arith.constant 0 : index
        %swap3A_148 = vector.load %arg4[%swap3A_145, %swap3A_146, %swap3A_147] : memref<1x1x1xf32, #tpu.memory_space<vmem>>, vector<1x1x1xf32>
        tpu.vector_store %arg4[%swap3A_145, %swap3A_146, %swap3A_147], %broadcast_in_dim3A_144 {strides = array<i32>} : memref<1x1x1xf32, #tpu.memory_space<vmem>>, vector<1x1x1xf32>,
      } else {
      }
    } else {
    }
    return
  }
  func.func @transform_0(%arg0: i32, %arg1: i32) -> (i32, i32, i32) {
    %c0_i32 = arith.constant 0 : i32
    %c0_i32_0 = arith.constant 0 : i32
    %c0_i32_1 = arith.constant 0 : i32
    return %arg0, %c0_i32, %c0_i32_0 : i32, i32, i32
  }
  func.func @transform_1(%arg0: i32, %arg1: i32) -> (i32, i32, i32) {
    %c0_i32 = arith.constant 0 : i32
    %c0_i32_0 = arith.constant 0 : i32
    return %arg0, %arg1, %c0_i32 : i32, i32, i32
  }
  func.func @transform_2(%arg0: i32, %arg1: i32) -> (i32, i32, i32) {
    %c0_i32 = arith.constant 0 : i32
    %c0_i32_0 = arith.constant 0 : i32
    %c0_i32_1 = arith.constant 0 : i32
    %c0_i32_2 = arith.constant 0 : i32
    return %c0_i32, %c0_i32_0, %c0_i32_1 : i32, i32, i32
  }
}

</mosaic_0001>

<sc_bundles>
// kernel: kernel.4.cloned.1.call-start
scs
__scs_entry_jumppad:
0x0: {  	(pc) =	sbr.rel $0x88, $3  }
0x1: {  	(tag) =	ssettag $0x0;
	lr =	simm.s32 $0x1  }
0x2: {  	[smem:$0x3F9F] =	sst lr;
	_ =	strace $0xD0000000  }
0x3: {  	_ = 	snop  }
0x4: {  	_ = 	snop  }
0x5: {  	_ = 	snop  }
0x6: {  	_ = 	snop  }
0x7: {  	_ = 	snop  }
__scs_overlays_trampoline_lowered:
0x8: {  	[smem:$0x3FAE] =	sst s0  }
0x9: {  	[smem:$0x3FAF] =	sst s1  }
0xa: {  	[smem:$0x3FB0] =	sst s2  }
0xb: {  	[smem:$0x3FB1] =	sst s3  }
0xc: {  	[smem:$0x3FB2] =	sst s4  }
0xd: {  	[smem:$0x3FB3] =	sst s5  }
0xe: {  	[smem:$0x3FB4] =	sst s6  }
0xf: {  	[smem:$0x3FB5] =	sst s7  }
0x10: {  	[smem:$0x3FB6] =	sst s8  }
0x11: {  	[smem:$0x3FB7] =	sst s9;
	s0 =	simm.s32 @!p0 $0x0  }
0x12: {  	s1 =	sld [smem:$0x3F9D];
	s0 =	simm.s32 @p0 $0x1  }
0x13: {  	[smem:$0x3FB8] =	sst s0;
	s0 =	simm.s32 @!p1 $0x0  }
0x14: {  	s2 =	sld [smem:$0x3F9C];
	s0 =	simm.s32 @p1 $0x1  }
0x15: {  	[smem:$0x3FB9] =	sst s0;
	s0 =	simm.s32 @!p2 $0x0  }
0x16: {  	s3 =	sld [smem:$0x3FDB];
	s0 =	simm.s32 @p2 $0x1  }
0x17: {  	s4 =	simm.s32 $0x1BF5;
	[smem:$0x3FBB] =	sst s0  }
0x18: {  	s0 =	sld [smem:$0x3F9E];
	_ =	swait.ge [sflag:s4], $0x0  }
0x19: {  	s7 =	sld [smem:$0x3F9F]  }
0x1a: {  	s8 =	sadd.s32 $0xFFFFE003, lr  }
0x1b: {  	s9 =	sadd.s32 $0xFFFFFEF7, lr;
	s5 =	simm.s32 $0xFFFFFFFF;
	p2 =	slt.u32 s8, $0xFFFFF086  }
0x1c: {  	p1 =	slt.u32 s9, $0xF7A;
	s5 =	simm.s32 @!p2 $0x0  }
0x1d: {  	s5 =	simm.s32 @p1 $0x1;
	p0 =	seq.s32 s7, s2  }
0x1e: {  	s7 =	smul.u32 @!p0 $0xF7A, s2;
	p2 =	seq.s32 @!p0 s5, $0x0  }
0x1f: {  	s9 =	smul.u32 $0xF7A, s1;
	s8 =	simm.s32 @!p0 $0x1BF5;
	p2 =	por !p2, p0  }
0x20: {  	[sflag:s8] =	ssyncset.s32 @!p0 $0xFFFFF086;
	s6 =	sadd.s32 @!p0 s3, s7;
	s7 =	simm.s32 @!p0 $0x108  }
0x21: {  	s3 =	sadd.s32 s3, s9;
	s6 =	sadd.s32 @!p0 $0x88, s6;
	s7 =	simm.s32 @p2 $0x1082  }
0x22: {  	[simem:s7], [sflag:s8] =	dma.local @!p0 [hbm:s6], $0xF7A  }
0x23: {  	s9 =	sor.u32 $0xD0000000, s2;
	s6 =	simm.s32 $0x108;
	_ =	swait.ge @!p0 [sflag:s8], $0x0  }
0x24: {  	s3 =	sadd.s32 $0x88, s3;
	s6 =	simm.s32 @!p1 $0x1082;
	[sflag:s4] =	ssyncset.s32 $0xFFFFF086  }
0x25: {  	[simem:s6], [sflag:s4] =	dma.local [hbm:s3], $0xF7A  }
0x26: {  	[smem:$0x3F9F] =	sst s1;
	(tag) =	ssettag s2;
	_ =	strace s9  }
0x27: {  	s1 =	sld [smem:$0x3FAF]  }
0x28: {  	s2 =	sld [smem:$0x3FB0]  }
0x29: {  	s4 =	sld [smem:$0x3FB2]  }
0x2a: {  	p0 =	seq.s32 s5, $0x0;
	s5 =	sld [smem:$0x3FB3]  }
0x2b: {  	s6 =	sld [smem:$0x3FB4]  }
0x2c: {  	s7 =	sld [smem:$0x3FB5]  }
0x2d: {  	s3 =	simm.s32 $0x108;
	s8 =	sld [smem:$0x3FB6]  }
0x2e: {  	s3 =	simm.s32 @!p0 $0x1082;
	s9 =	sld [smem:$0x3FB7]  }
0x2f: {  	lr =	sadd.s32 s0, s3;
	s0 =	sld [smem:$0x3FAE]  }
0x30: {  	s3 =	sld [smem:$0x3FB1]  }
0x31: {  	[smem:$0x3FBA] =	sst s10  }
0x32: {  	s10 =	sld [smem:$0x3FB8];
	_ =	sdelay $0x3  }
0x33: {  	p0 =	seq.s32 s10, $0x1;
	s10 =	sld [smem:$0x3FBA];
	_ =	sdelay $0x3  }
0x34: {  	[smem:$0x3FBA] =	sst s10  }
0x35: {  	s10 =	sld [smem:$0x3FB9];
	_ =	sdelay $0x3  }
0x36: {  	p1 =	seq.s32 s10, $0x1;
	s10 =	sld [smem:$0x3FBA];
	_ =	sdelay $0x3  }
0x37: {  	[smem:$0x3FBA] =	sst s10  }
0x38: {  	s10 =	sld [smem:$0x3FBB]  }
0x39: {  	_ = 	snop;
	(pc) =	sbr.ind lr, $3  }
0x3a: {  	_ = 	snop  }
0x3b: {  	_ = 	snop  }
0x3c: {  	p2 =	seq.s32 s10, $0x1;
	s10 =	sld [smem:$0x3FBA]  }
0x3d: {  	_ =	shalt  }
0x3e: {  	_ =	shalt  }
0x3f: {  	_ =	shalt  }
0x40: {  	_ =	shalt  }
0x41: {  	_ =	shalt  }
0x42: {  	_ =	shalt  }
0x43: {  	_ =	shalt  }
0x44: {  	_ =	shalt  }
0x45: {  	_ =	shalt  }
0x46: {  	_ =	shalt  }
0x47: {  	_ =	shalt  }
0x48: {  	_ =	shalt  }
0x49: {  	_ =	shalt  }
0x4a: {  	_ =	shalt  }
0x4b: {  	_ =	shalt  }
0x4c: {  	_ =	shalt  }
0x4d: {  	_ =	shalt  }
0x4e: {  	_ =	shalt  }
0x4f: {  	_ =	shalt  }
0x50: {  	_ =	shalt  }
0x51: {  	_ =	shalt  }
0x52: {  	_ =	shalt  }
0x53: {  	_ =	shalt  }
0x54: {  	_ =	shalt  }
0x55: {  	_ =	shalt  }
0x56: {  	_ =	shalt  }
0x57: {  	_ =	shalt  }
0x58: {  	_ =	shalt  }
0x59: {  	_ =	shalt  }
0x5a: {  	_ =	shalt  }
0x5b: {  	_ =	shalt  }
0x5c: {  	_ =	shalt  }
0x5d: {  	_ =	shalt  }
0x5e: {  	_ =	shalt  }
0x5f: {  	_ =	shalt  }
0x60: {  	_ =	shalt  }
0x61: {  	_ =	shalt  }
0x62: {  	_ =	shalt  }
0x63: {  	_ =	shalt  }
0x64: {  	_ =	shalt  }
0x65: {  	_ =	shalt  }
0x66: {  	_ =	shalt  }
0x67: {  	_ =	shalt  }
0x68: {  	_ =	shalt  }
0x69: {  	_ =	shalt  }
0x6a: {  	_ =	shalt  }
0x6b: {  	_ =	shalt  }
0x6c: {  	_ =	shalt  }
0x6d: {  	_ =	shalt  }
0x6e: {  	_ =	shalt  }
0x6f: {  	_ =	shalt  }
0x70: {  	_ =	shalt  }
0x71: {  	_ =	shalt  }
0x72: {  	_ =	shalt  }
0x73: {  	_ =	shalt  }
0x74: {  	_ =	shalt  }
0x75: {  	_ =	shalt  }
0x76: {  	_ =	shalt  }
0x77: {  	_ =	shalt  }
0x78: {  	_ =	shalt  }
0x79: {  	_ =	shalt  }
0x7a: {  	_ =	shalt  }
0x7b: {  	_ =	shalt  }
0x7c: {  	_ =	shalt  }
0x7d: {  	_ =	shalt  }
0x7e: {  	_ =	shalt  }
0x7f: {  	_ =	shalt  }
0x80: {  	_ =	shalt  }
0x81: {  	_ =	shalt  }
0x82: {  	_ =	shalt  }
0x83: {  	_ =	shalt  }
0x84: {  	_ =	shalt  }
0x85: {  	_ =	shalt  }
0x86: {  	_ =	shalt  }
0x87: {  	_ =	shalt  }
.Lfunc_end0:
.L_simem_size_0:
called_computation_lowered:
.L_overlay_start_0:
0x88: {  	s2 =	sld [smem:$0x3FD9]  }
0x89: {  	s3 =	sld [smem:$0x3FFE];
	_ =	sdelay $0x1  }
0x8a: {  	s1 =	srdreg.scid  }
0x8b: {  	s0 =	sand.u32 $0x1, s1  }
0x8c: {  	s17 =	sshll.u32 s0, $0xA;
	s2 =	sadd.s32 s3, s2  }
0x8d: {  	s2 =	sadd.s32 s2, s17  }
0x8e: {  	[smem:$0x3FC6] =	sst s2  }
0x8f: {  	_ = 	snop  }
0x90: {  	s2 =	sld [smem:$0x3FD0];
	(tm) =	ssettm $0x1  }
0x91: {  	s18 =	sld [smem:$0x3FFB];
	_ =	sdelay $0x3  }
0x92: {  	_ =	strace s18  }
0x93: {  	s3 =	sld [smem:$0x3FFC];
	_ =	sdelay $0x3  }
0x94: {  	_ =	strace s3  }
0x95: {  	s3 =	sld [smem:$0x3FFD];
	_ =	sdelay $0x3  }
0x96: {  	_ =	strace s3  }
0x97: {  	_ =	strace $0x8FFFFFFF  }
0x98: {  	s19 =	sld [smem:$0x3FDB];
	_ =	sdelay $0x1  }
0x99: {  	s4 =	simm.s32 $_scs_section_size  }
0x9a: {  	s5 =	simm.s32 $_size__tile_overlayer_lowered;
	s6 =	simm.s32 $_tile_overlayer_lowered  }
0x9b: {  	s22 =	simm.s32 $0x1BFF;
	s21 =	sshll.u32 s6, $0x1;
	s3 =	sadd.s32 s4, s19  }
0x9c: {  	s7 =	simm.s32 $0x0;
	s20 =	sshll.u32 s5, $0x1;
	s5 =	sadd.s32 s21, s3  }
0x9d: {  	[timem:s7], [sflag:s22] =	dma.local [hbm:s5], s20  }
0x9e: {  	_ =	swait.ge [sflag:s22], s20  }
0x9f: {  	s4 =	ssub.s32 $0x0, s20;
	[sflag:s22] =	ssyncset.done $0x0  }
0xa0: {  	[sflag:s22] =	ssyncadd.s32 s4;
	_ =	sdelay $0x1  }
0xa1: {  	s23 =	simm.s32 $0x1B8B  }
0xa2: {  	_ =	swait.ge [sflag:s23], $0x1  }
0xa3: {  	[sflag:s23] =	ssyncset.done $0x0  }
0xa4: {  	s25 =	simm.s32 $0x1B8E;
	s24 =	sld [smem:$0x3FFE];
	[sflag:s23] =	ssyncadd.s32 $0xFFFFFFFF  }
0xa5: {  	s26 =	simm.s32 $execute0_lowered;
	[smem:$0x3FD2] =	sst s25  }
0xa6: {  	s5 =	sshll.u32 s26, $0x1;
	_ =	strace $0x80000046;
	[dreg:$0x1] =	wrdreg $0xFFFFFFFF  }
0xa7: {  	s28 =	simm.s32 $_size_execute0_lowered;
	s3 =	sadd.s32 s3, s5;
	[dreg:$0x0] =	wrdreg $0x0  }
0xa8: {  	s5 =	sshll.u32 s28, $0x1;
	[dreg:$0x2] =	wrdreg s3  }
0xa9: {  	[dreg:$0x3] =	wrdreg s5  }
0xaa: {  	[dreg:$0x4] =	wrdreg $0xC0  }
0xab: {  	_ =	task [dreg:s7], $0x5FFFF  }
0xac: {  	[dreg:$0x1] =	wrdreg $0xFFFFFFFF  }
0xad: {  	[dreg:$0x0] =	wrdreg $0x60  }
0xae: {  	[dreg:$0x2] =	wrdreg s24  }
0xaf: {  	[dreg:$0x3] =	wrdreg s2  }
0xb0: {  	[dreg:$0x4] =	wrdreg $0x0  }
0xb1: {  	[dreg:$0x5] =	wrdreg $0x9  }
0xb2: {  	_ =	task.clear_ibuf [dreg:s7], $0x6FFFF;
	_ =	strace $0x90000046  }
0xb3: {  	s29 =	simm.s32 $0x9;
	_ =	strace $0x80000048  }
0xb4: {  	_ =	swait.ge [sflag:s29], $0x1  }
0xb5: {  	[sflag:s29] =	ssyncadd.s32 $0xFFFFFFFF  }
0xb6: {  	_ =	strace $0x90000048  }
0xb7: {  	_ =	sfence  }
0xb8: {  	s30 =	sld [smem:$0x0];
	_ =	sdelay $0x2  }
0xb9: {  	s31 =	sshll.u32 s1, $0xD;
	s1 =	sshrl.u32 s1, $0x2  }
0xba: {  	s3 =	sand.u32 $0x4000, s31;
	s1 =	sadd.s32 s1, s30  }
0xbb: {  	s0 =	sor.u32 s3, s0;
	s1 =	sshll.u32 s1, $0x11  }
0xbc: {  	s0 =	sor.u32 s1, s0  }
0xbd: {  	s0 =	sadd.s32 $0x8F2B, s0  }
0xbe: {  	[sflag:s0] =	ssyncadd.remote.s32 $0x1  }
0xbf: {  	_ =	sfence.sel $0xFFFF  }
0xc0: {  	[dreg:$0x0] =	wrdreg $0xFFFFFFFF;
	(pc) =	sbr.abs _section_cstart, $3  }
0xc1: {  	[dreg:$0x1] =	wrdreg $0xFFFFFFFF  }
0xc2: {  	_ =	task.clear_ibuf [dreg:s7], $0x2FFFF;
	_ =	strace $0x9FFFFFFF  }
0xc3: {  	(tm) =	ssettm $0x7FFFFFFF  }
tec
execute0_lowered:
.L_overlay_start_1:
0x0: {  	(tag) =	ssettag $0x1  }
0x1: {  	s14 =	rddreg [dreg:$0x0]  }
0x2: {  	s1 =	rddreg [dreg:$0x1]  }
0x3: {  	s2 =	rddreg [dreg:$0x2]  }
0x4: {  	s0 =	rddreg [dreg:$0x3];
	s3 =	simm.s32 $0x0  }
0x5: {  	s7 =	simm.s32 $0x380;
	[smem:$0x7FF] =	sst s3  }
0x6: {  	s6 =	simm.s32 $0x1;
	s5 =	sadd.s32 $0xA00, s14;
	_ =	strace $0x80000047  }
0x7: {  	[tilespmem:s7], [sflag:$0x1] =	stream.linear.gather [hbm4b:s5+s3], $0x200, $0x38;
	[tilespmem:$0x580] =	vst v63  }
0x8: {  	s4 =	stileid.u32;
	_ =	swait.ge [sflag:s6], $0x200  }
0x9: {  	s8 =	srdreg.scid;
	s9 =	sshll.u32 s4, $0x5;
	[sflag:s6] =	ssyncset.done $0x0  }
0xa: {  	s15 =	sand.u32 $0x1, s8;
	s8 =	simm.s32 $0x300;
	[sflag:s6] =	ssyncadd.s32 $0xFFFFFE00  }
0xb: {  	[tilespmem:s8], [sflag:$0x1] =	stream.linear.gather [hbm4b:s1+s3], $0x80, $0x38;
	[tilespmem:$0x580] =	vst v63  }
0xc: {  	s9 =	sadd.s32 s9, s14;
	s10 =	sshll.u32 s15, $0x9;
	_ =	swait.ge [sflag:s6], $0x80  }
0xd: {  	s9 =	sadd.s32 s10, s9;
	[sflag:s6] =	ssyncset.done $0x0  }
0xe: {  	s10 =	simm.s32 $0x200;
	s9 =	sadd.s32 $0x600, s9;
	[sflag:s6] =	ssyncadd.s32 $0xFFFFFF80  }
0xf: {  	[tilespmem:s10], [sflag:$0x1] =	stream.linear.gather [hbm4b:s9+s3], $0x100, $0x38;
	[tilespmem:$0x580] =	vst v63  }
0x10: {  	_ =	swait.ge [sflag:s6], $0x100  }
0x11: {  	s16 =	sshll.u32 s4, $0x9;
	[sflag:s6] =	ssyncset.done $0x0  }
0x12: {  	s11 =	sadd.s32 s16, s2;
	[sflag:s6] =	ssyncadd.s32 $0xFFFFFF00  }
0x13: {  	[spmem:s11] =	stream.linear.scatter [tilespmem:s7], [sflag:$0x1], $0x200, $0x38;
	[tilespmem:$0x580] =	vst v63  }
0x14: {  	_ =	swait.ge [sflag:s6], $0x200  }
0x15: {  	[sflag:s6] =	ssyncset.done $0x0  }
0x16: {  	[sflag:s6] =	ssyncadd.s32 $0xFFFFFE00  }
0x17: {  	s12 =	simm.s32 $0x80;
	[bflag:$0x0] =	sbarrier.arrive $0xFFFF  }
0x18: {  	[spmem:s2] =	stream.indirect.scatter.add.f32 [tilespmem:s8], [sflag:$0x1], $0x1, s10, s12, $0xb8;
	[tilespmem:$0x580] =	vst v63  }
0x19: {  	_ =	swait.ge [sflag:s6], $0x80  }
0x1a: {  	[sflag:s6] =	ssyncset.done $0x0  }
0x1b: {  	s13 =	simm.s32 $0x280;
	[sflag:s6] =	ssyncadd.s32 $0xFFFFFF80  }
0x1c: {  	[spmem:s2] =	stream.indirect.scatter.add.f32 [tilespmem:s8], [sflag:$0x1], $0x1, s13, s12, $0xb8;
	[tilespmem:$0x580] =	vst v63  }
0x1d: {  	s17 =	sshll.u32 s15, $0xD;
	s15 =	ssub.s32 $0x2, s15;
	_ =	swait.ge [sflag:s6], $0x80  }
0x1e: {  	s31 =	sshrl.u32 s15, $0x1;
	[sflag:s6] =	ssyncset.done $0x0  }
0x1f: {  	s15 =	ssub.s32 s15, s31;
	[sflag:s6] =	ssyncadd.s32 $0xFFFFFF80  }
0x20: {  	s16 =	sor.u32 s16, s17;
	s15 =	smax.u32 s15, $0x1;
	[bflag:$0x0] =	sbarrier.arrive $0xFFFF  }
0x21: {  	[tilespmem:s7], [sflag:$0x1] =	stream.linear.gather [spmem:s11], $0x200, $0x38;
	[tilespmem:$0x580] =	vst v63  }
0x22: {  	s16 =	sshrl.u32 s16, $0x3;
	p0 =	sne.s32 s15, $0x1;
	_ =	swait.ge [sflag:s6], $0x200  }
.Ltmp0:
0x23: {  	s14 =	sadd.s32 s16, s14;
	[sflag:s6] =	ssyncset.done $0x0;
	(pc) =	sbr.rel @!p0 .LBB2_2-.Ltmp0, $4  }
0x24: {  	s14 =	sadd.s32 $0xC00, s14;
	[sflag:s6] =	ssyncadd.s32 $0xFFFFFE00  }
0x25: {  	[hbm4b:s14+s3] =	stream.linear.scatter [tilespmem:s7], [sflag:$0x1], $0x200, $0x38;
	[tilespmem:$0x580] =	vst v63  }
0x26: {  	_ =	swait.ge [sflag:s6], $0x200  }
0x27: {  	s15 =	sadd.s32 $0xFFFFFFFF, s15;
	[sflag:s6] =	ssyncset.done $0x0  }
.LBB2_1:
0x28: {  	p0 =	sne.s32 s15, $0x1;
	s15 =	sadd.s32 $0xFFFFFFFF, s15;
	[sflag:s6] =	ssyncadd.s32 $0xFFFFFE00  }
0x29: {  	[tilespmem:s7], [sflag:$0x1] =	stream.linear.gather [hbm4b:s5+s3], $0x200, $0x38;
	[tilespmem:$0x580] =	vst v63  }
0x2a: {  	_ =	swait.ge [sflag:s6], $0x200  }
0x2b: {  	[sflag:s6] =	ssyncset.done $0x0  }
0x2c: {  	[sflag:s6] =	ssyncadd.s32 $0xFFFFFE00  }
0x2d: {  	[tilespmem:s8], [sflag:$0x1] =	stream.linear.gather [hbm4b:s1+s3], $0x80, $0x38;
	[tilespmem:$0x580] =	vst v63  }
0x2e: {  	_ =	swait.ge [sflag:s6], $0x80  }
0x2f: {  	[sflag:s6] =	ssyncset.done $0x0  }
0x30: {  	[sflag:s6] =	ssyncadd.s32 $0xFFFFFF80  }
0x31: {  	[tilespmem:s10], [sflag:$0x1] =	stream.linear.gather [hbm4b:s9+s3], $0x100, $0x38;
	[tilespmem:$0x580] =	vst v63  }
0x32: {  	_ =	swait.ge [sflag:s6], $0x100  }
0x33: {  	[sflag:s6] =	ssyncset.done $0x0  }
0x34: {  	[sflag:s6] =	ssyncadd.s32 $0xFFFFFF00  }
0x35: {  	[spmem:s11] =	stream.linear.scatter [tilespmem:s7], [sflag:$0x1], $0x200, $0x38;
	[tilespmem:$0x580] =	vst v63  }
0x36: {  	_ =	swait.ge [sflag:s6], $0x200  }
0x37: {  	[sflag:s6] =	ssyncset.done $0x0  }
0x38: {  	[sflag:s6] =	ssyncadd.s32 $0xFFFFFE00  }
0x39: {  	[bflag:$0x0] =	sbarrier.arrive $0xFFFF  }
0x3a: {  	[spmem:s2] =	stream.indirect.scatter.add.f32 [tilespmem:s8], [sflag:$0x1], $0x1, s10, s12, $0xb8;
	[tilespmem:$0x580] =	vst v63  }
0x3b: {  	_ =	swait.ge [sflag:s6], $0x80  }
0x3c: {  	[sflag:s6] =	ssyncset.done $0x0  }
0x3d: {  	[sflag:s6] =	ssyncadd.s32 $0xFFFFFF80  }
0x3e: {  	[spmem:s2] =	stream.indirect.scatter.add.f32 [tilespmem:s8], [sflag:$0x1], $0x1, s13, s12, $0xb8;
	[tilespmem:$0x580] =	vst v63  }
0x3f: {  	_ =	swait.ge [sflag:s6], $0x80  }
0x40: {  	[sflag:s6] =	ssyncset.done $0x0  }
0x41: {  	[sflag:s6] =	ssyncadd.s32 $0xFFFFFF80  }
0x42: {  	[bflag:$0x0] =	sbarrier.arrive $0xFFFF  }
0x43: {  	[tilespmem:s7], [sflag:$0x1] =	stream.linear.gather [spmem:s11], $0x200, $0x38;
	[tilespmem:$0x580] =	vst v63  }
0x44: {  	_ =	swait.ge [sflag:s6], $0x200  }
.Ltmp1:
0x45: {  	[sflag:s6] =	ssyncset.done $0x0;
	(pc) =	sbr.rel @p0 .LBB2_1-.Ltmp1, $4  }
0x46: {  	[sflag:s6] =	ssyncadd.s32 $0xFFFFFE00  }
0x47: {  	[hbm4b:s14+s3] =	stream.linear.scatter [tilespmem:s7], [sflag:$0x1], $0x200, $0x38;
	[tilespmem:$0x580] =	vst v63  }
0x48: {  	_ =	swait.ge [sflag:s6], $0x200  }
0x49: {  	[sflag:s6] =	ssyncset.done $0x0  }
.LBB2_2:
0x4a: {  	[sflag:s6] =	ssyncadd.s32 $0xFFFFFE00  }
0x4b: {  	_ =	sfence.sel $0x180000  }
0x4c: {  	[bflag:$0x0] =	sbarrier.arrive $0xFFFF  }
0x4d: {  	p0 =	sne.s32 s4, $0x0;
	_ =	strace $0x90000047  }
0x4e: {  	s0 =	sadd.s32 @!p0 $0x100000, s0;
	[bflag:$0x2] =	sbarrier.arrive $0xFFFF  }
0x4f: {  	[sflag:s0] =	ssyncadd.tile.s32 @!p0 $0x1;
	_ =	shalt  }
.Lfunc_end2:
_tile_overlayer_lowered:
.L_overlay_start_2:
0x50: {  	(tag) =	ssettag $0x2  }
0x51: {  	s0 =	rddreg [dreg:$0x0];
	s2 =	stileid.u32  }
0x52: {  	s1 =	rddreg [dreg:$0x1];
	p0 =	sne.s32 s2, $0x0  }
0x53: {  	s3 =	rddreg [dreg:$0x2];
	[bflag:$0x3] =	sbarrier.arrive $0xFFFF;
	s2 =	simm.s32 @!p0 $0x1C01  }
0x54: {  	[timem:s3], [sflag:s2] =	dma.local @!p0 [hbm:s0], s1  }
0x55: {  	s0 =	simm.s32 @!p0 $0x1  }
0x56: {  	_ =	swait.ge @!p0 [sflag:s0], s1  }
0x57: {  	s1 =	ssub.s32 @!p0 $0x0, s1;
	[sflag:s0] =	ssyncset.done @!p0 $0x0  }
0x58: {  	[sflag:s0] =	ssyncadd.s32 @!p0 s1  }
0x59: {  	[bflag:$0x3] =	sbarrier.arrive $0xFFFF  }
0x5a: {  	_ =	shalt  }

</sc_bundles>
